<compile_context>
chip_gen: v7x
topology: tpu7x:2x2x1
jax: 0.10.2.dev20260603
libtpu: 0.0.44.dev20260713+nightly
codegen_flags: <defaults>
</compile_context>

<pallas_src>
import functools

import jax
import jax.numpy as jnp
from jax import lax
from jax.experimental import pallas as pl
from jax.experimental.pallas import tpu as pltpu
from jax.experimental.pallas import tpu_sc as plsc

B, S, P, F = 4, 2048, 16, 128
N = B * S
D = P * F
NT = P + 1

_info = plsc.get_sparse_core_info()
NC, NS, L = _info.num_cores, _info.num_subcores, _info.num_lanes
NW = NC * NS
RPW = N // NW
CH = 16


def _sc_body(x_hbm, pad_hbm, tab_hbm, out_hbm, tab_v, pad_v, buf_v):
    wid = lax.axis_index("s") * NC + lax.axis_index("c")
    base = wid * RPW
    pltpu.sync_copy(tab_hbm, tab_v)
    pltpu.sync_copy(pad_hbm.at[pl.ds(base, RPW)], pad_v)

    def chunk_body(g, _):
        row0 = base + g * CH
        pltpu.sync_copy(x_hbm.at[pl.ds(row0, CH)], buf_v)

        def row_body(r, _):
            prow = pad_v[g * CH + r, :]
            nz = plsc.all_reduce_population_count(prow != 0)
            cnt = P - nz[0]

            def col_body(j, _):
                sl = pl.ds(j * L, L)
                buf_v[r, sl] = buf_v[r, sl] + tab_v[cnt, sl]
                return 0

            lax.fori_loop(0, D // L, col_body, 0)
            return 0

        lax.fori_loop(0, CH, row_body, 0)
        pltpu.sync_copy(buf_v, out_hbm.at[pl.ds(row0, CH)])
        return 0

    lax.fori_loop(0, RPW // CH, chunk_body, 0)


@jax.jit
def _sc_call(x, pad, table):
    mesh = plsc.VectorSubcoreMesh(core_axis_name="c", subcore_axis_name="s")
    kern = functools.partial(
        pl.kernel,
        mesh=mesh,
        out_type=jax.ShapeDtypeStruct((N, D), jnp.float32),
        scratch_types=[
            pltpu.VMEM((NT, D), jnp.float32),
            pltpu.VMEM((RPW, P), jnp.int32),
            pltpu.VMEM((CH, D), jnp.float32),
        ],
        compiler_params=pltpu.CompilerParams(needs_layout_passes=False),
    )(_sc_body)
    return kern(x, pad, table)


def kernel(inputs, paddings, table):
    x = inputs.reshape(N, D)
    pad = paddings.reshape(N, P)
    out = _sc_call(x, pad, table)
    return out.reshape(B, S, D)

# --- scband reference (transcript-rebuilt; emitter-appended) ---
"""Pipeline reference for scband-byte-mixer-29858612641993 (READ-ONLY COPY).

The authoritative reference and input builder live on the scoring server;
editing this copy changes nothing except your own understanding.
"""

import jax, jax.numpy as jnp
import numpy as np

B, S, P, F = 4, 2048, 16, 128

def setup_inputs(seed: int = 0) -> dict:
    key = jax.random.key(seed)
    k1, k2, k3 = jax.random.split(key, 3)
    inputs = jax.random.normal(k1, (B, S, P, F), dtype=jnp.float32)
    paddings = jax.random.randint(k2, (B, S, P), 0, 2, dtype=jnp.int32)
    # learned embedding table: num_embeddings = patch_dim + 1, embedding_dim = P * F
    table = jax.random.normal(k3, (P + 1, P * F), dtype=jnp.float32) * 0.02
    return {"inputs": inputs, "paddings": paddings, "table": table}

def reference(inputs, paddings, table):
    # mask = (~paddings.bool()).long(); count of non-padded positions per patch
    mask = (~(paddings.astype(bool))).astype(jnp.int32)
    counts = jnp.sum(mask, axis=-1)  # [B, S], values in [0, P]
    # embedding lookup of per-patch valid-byte count
    measured = jnp.take(table, counts, axis=0)  # [B, S, P*F]
    # Merge(axis=-1, right=False): fold last axis into the one before it
    flat = inputs.reshape(inputs.shape[:-2] + (inputs.shape[-2] * inputs.shape[-1],))
    return measured + flat

if __name__ == "__main__":
    import jax
    _d = setup_inputs()
    print(jax.jit(kernel)(*tuple(_d.values())))

</pallas_src>

<mosaic_0001>
#map = affine_map<(d0, d1) -> (0, 0)>
module attributes {stable_mosaic.version = 14 : i64} {
  func.func @_sc_body(%arg0: i32, %arg1: i32, %arg2: memref<8192x2048xf32, #tpu.memory_space<hbm>>, %arg3: memref<8192x16xi32, #tpu.memory_space<hbm>>, %arg4: memref<17x2048xf32, #tpu.memory_space<hbm>>, %arg5: memref<8192x2048xf32, #tpu.memory_space<hbm>>, %arg6: memref<17x2048xf32, #tpu.memory_space<vmem>>, %arg7: memref<256x16xi32, #tpu.memory_space<vmem>>, %arg8: memref<16x2048xf32, #tpu.memory_space<vmem>>) attributes {dimension_semantics = [#tpu.dimension_semantics<core_parallel>, #tpu.dimension_semantics<subcore_parallel>], iteration_bounds = array<i64: 2, 16>, scalar_prefetch = 0 : i64, scratch_operands = 3 : i64, tpu.core_type = #tpu.core_type<sc_vector_subcore>, window_params = [{transform_indices = #map}, {transform_indices = #map}, {transform_indices = #map}, {transform_indices = #map}]} {
    %mul3A = arith.constant 2 : i32
    %mul3A_0 = arith.muli %arg1, %mul3A : i32
    %add3A = arith.addi %mul3A_0, %arg0 : i32
    %mul3A_1 = arith.constant 256 : i32
    %mul3A_2 = arith.muli %add3A, %mul3A_1 : i32
    "tpu.region"() ({
      %run_scoped3A = tpu.sem_alloc : memref<!tpu.dma_semaphore, #tpu.memory_space<semaphore_mem>>
      tpu.enqueue_dma source(%arg4 : memref<17x2048xf32, #tpu.memory_space<hbm>>) target(%arg6 : memref<17x2048xf32, #tpu.memory_space<vmem>>) target_semaphore(%run_scoped3A : memref<!tpu.dma_semaphore, #tpu.memory_space<semaphore_mem>>)
      tpu.wait_dma2 semaphore(%run_scoped3A : memref<!tpu.dma_semaphore, #tpu.memory_space<semaphore_mem>>) src(%arg4 : memref<17x2048xf32, #tpu.memory_space<hbm>>) dst(%arg6 : memref<17x2048xf32, #tpu.memory_space<vmem>>)
      tpu.yield
    }) : () -> ()
    "tpu.region"() ({
      %run_scoped3A = tpu.sem_alloc : memref<!tpu.dma_semaphore, #tpu.memory_space<semaphore_mem>>
      %dma_start3A = arith.constant 0 : i32
      %dma_start3A_9 = tpu.memref_slice %arg3[%mul3A_2, %dma_start3A] : memref<8192x16xi32, #tpu.memory_space<hbm>> -> memref<256x16xi32, #tpu.memory_space<hbm>>
      %dma_start3A_10 = arith.constant 0 : i32
      %dma_start3A_11 = tpu.memref_slice %arg3[%mul3A_2, %dma_start3A_10] : memref<8192x16xi32, #tpu.memory_space<hbm>> -> memref<256x16xi32, #tpu.memory_space<hbm>>
      tpu.enqueue_dma source(%dma_start3A_11 : memref<256x16xi32, #tpu.memory_space<hbm>>) target(%arg7 : memref<256x16xi32, #tpu.memory_space<vmem>>) target_semaphore(%run_scoped3A : memref<!tpu.dma_semaphore, #tpu.memory_space<semaphore_mem>>)
      %dma_wait3A = arith.constant 0 : i32
      %dma_wait3A_12 = tpu.memref_slice %arg3[%mul3A_2, %dma_wait3A] : memref<8192x16xi32, #tpu.memory_space<hbm>> -> memref<256x16xi32, #tpu.memory_space<hbm>>
      %dma_wait3A_13 = arith.constant 0 : i32
      %dma_wait3A_14 = tpu.memref_slice %arg3[%mul3A_2, %dma_wait3A_13] : memref<8192x16xi32, #tpu.memory_space<hbm>> -> memref<256x16xi32, #tpu.memory_space<hbm>>
      tpu.wait_dma2 semaphore(%run_scoped3A : memref<!tpu.dma_semaphore, #tpu.memory_space<semaphore_mem>>) src(%dma_wait3A_14 : memref<256x16xi32, #tpu.memory_space<hbm>>) dst(%arg7 : memref<256x16xi32, #tpu.memory_space<vmem>>)
      tpu.yield
    }) : () -> ()
    %scan3A = arith.constant 0 : i32
    %scan3A_3 = arith.constant 0 : i32
    %scan3A_4 = arith.constant 16 : i32
    %scan3A_5 = arith.addi %scan3A_3, %scan3A_4 : i32
    %scan3A_6 = arith.constant 1 : i32
    %scan3A_7 = scf.for %scan3A_9 = %scan3A_3 to %scan3A_5 step %scan3A_6 iter_args(%scan3A_10 = %scan3A) -> (i32)  : i32 {
      %mul3A_11 = arith.constant 16 : i32
      %mul3A_12 = arith.muli %scan3A_9, %mul3A_11 : i32
      %add3A_13 = arith.addi %mul3A_2, %mul3A_12 : i32
      "tpu.region"() ({
        %run_scoped3A = tpu.sem_alloc : memref<!tpu.dma_semaphore, #tpu.memory_space<semaphore_mem>>
        %dma_start3A = arith.constant 0 : i32
        %dma_start3A_22 = tpu.memref_slice %arg2[%add3A_13, %dma_start3A] : memref<8192x2048xf32, #tpu.memory_space<hbm>> -> memref<16x2048xf32, #tpu.memory_space<hbm>>
        %dma_start3A_23 = arith.constant 0 : i32
        %dma_start3A_24 = tpu.memref_slice %arg2[%add3A_13, %dma_start3A_23] : memref<8192x2048xf32, #tpu.memory_space<hbm>> -> memref<16x2048xf32, #tpu.memory_space<hbm>>
        tpu.enqueue_dma source(%dma_start3A_24 : memref<16x2048xf32, #tpu.memory_space<hbm>>) target(%arg8 : memref<16x2048xf32, #tpu.memory_space<vmem>>) target_semaphore(%run_scoped3A : memref<!tpu.dma_semaphore, #tpu.memory_space<semaphore_mem>>)
        %dma_wait3A = arith.constant 0 : i32
        %dma_wait3A_25 = tpu.memref_slice %arg2[%add3A_13, %dma_wait3A] : memref<8192x2048xf32, #tpu.memory_space<hbm>> -> memref<16x2048xf32, #tpu.memory_space<hbm>>
        %dma_wait3A_26 = arith.constant 0 : i32
        %dma_wait3A_27 = tpu.memref_slice %arg2[%add3A_13, %dma_wait3A_26] : memref<8192x2048xf32, #tpu.memory_space<hbm>> -> memref<16x2048xf32, #tpu.memory_space<hbm>>
        tpu.wait_dma2 semaphore(%run_scoped3A : memref<!tpu.dma_semaphore, #tpu.memory_space<semaphore_mem>>) src(%dma_wait3A_27 : memref<16x2048xf32, #tpu.memory_space<hbm>>) dst(%arg8 : memref<16x2048xf32, #tpu.memory_space<vmem>>)
        tpu.yield
      }) : () -> ()
      %scan3A_14 = arith.constant 0 : i32
      %scan3A_15 = arith.constant 0 : i32
      %scan3A_16 = arith.constant 16 : i32
      %scan3A_17 = arith.addi %scan3A_15, %scan3A_16 : i32
      %scan3A_18 = arith.constant 1 : i32
      %scan3A_19 = scf.for %scan3A_22 = %scan3A_15 to %scan3A_17 step %scan3A_18 iter_args(%scan3A_23 = %scan3A_14) -> (i32)  : i32 {
        %mul3A_24 = arith.constant 16 : i32
        %mul3A_25 = arith.muli %scan3A_9, %mul3A_24 : i32
        %add3A_26 = arith.addi %mul3A_25, %scan3A_22 : i32
        %get3A = arith.index_cast %add3A_26 : i32 to index
        %get3A_27 = arith.constant 0 : index
        %get3A_28 = tpu.vector_load %arg7[%get3A, %get3A_27] {strides = array<i32>} : memref<256x16xi32, #tpu.memory_space<vmem>>, vector<16xi32>,
        %ne3A = arith.constant 0 : i32
        %ne3A_29 = vector.broadcast %ne3A : i32 to vector<16xi32>
        %ne3A_30 = arith.cmpi ne, %get3A_28, %ne3A_29 : vector<16xi32>
        %all_reduce_population_count3A = tpu.all_reduce %ne3A_30 {dim = 0 : i64, kind = #tpu.reduction_kind<sum>} : vector<16xi1> -> vector<16xi32>
        %slice3A = vector.extract_strided_slice %all_reduce_population_count3A {offsets = [0], sizes = [1], strides = [1]} : vector<16xi32> to vector<1xi32>
        %squeeze3A = vector.extract %slice3A[0] : i32 from vector<1xi32>
        %sub3A = arith.constant 16 : i32
        %sub3A_31 = arith.subi %sub3A, %squeeze3A : i32
        %scan3A_32 = arith.constant 0 : i32
        %scan3A_33 = arith.constant 0 : i32
        %scan3A_34 = arith.constant 128 : i32
        %scan3A_35 = arith.addi %scan3A_33, %scan3A_34 : i32
        %scan3A_36 = arith.constant 1 : i32
        %scan3A_37 = scf.for %scan3A_40 = %scan3A_33 to %scan3A_35 step %scan3A_36 iter_args(%scan3A_41 = %scan3A_32) -> (i32)  : i32 {
          %mul3A_42 = arith.constant 16 : i32
          %mul3A_43 = arith.muli %scan3A_40, %mul3A_42 : i32
          %get3A_44 = arith.index_cast %scan3A_22 : i32 to index
          %get3A_45 = arith.index_cast %mul3A_43 : i32 to index
          %get3A_46 = tpu.vector_load %arg8[%get3A_44, %get3A_45] {strides = array<i32>} : memref<16x2048xf32, #tpu.memory_space<vmem>>, vector<16xf32>,
          %get3A_47 = arith.index_cast %sub3A_31 : i32 to index
          %get3A_48 = arith.index_cast %mul3A_43 : i32 to index
          %get3A_49 = tpu.vector_load %arg6[%get3A_47, %get3A_48] {strides = array<i32>} : memref<17x2048xf32, #tpu.memory_space<vmem>>, vector<16xf32>,
          %add3A_50 = arith.addf %get3A_46, %get3A_49 : vector<16xf32>
          %swap3A = arith.index_cast %scan3A_22 : i32 to index
          %swap3A_51 = arith.index_cast %mul3A_43 : i32 to index
          %swap3A_52 = tpu.vector_load %arg8[%swap3A, %swap3A_51] {strides = array<i32>} : memref<16x2048xf32, #tpu.memory_space<vmem>>, vector<16xf32>,
          tpu.vector_store %arg8[%swap3A, %swap3A_51], %add3A_50 {strides = array<i32>} : memref<16x2048xf32, #tpu.memory_space<vmem>>, vector<16xf32>,
          %scan3A_53 = arith.constant 0 : i32
          scf.yield %scan3A_53 : i32
        }
        %scan3A_38 = arith.constant 128 : i32
        %scan3A_39 = arith.constant 0 : i32
        scf.yield %scan3A_39 : i32
      }
      %scan3A_20 = arith.constant 16 : i32
      "tpu.region"() ({
        %run_scoped3A = tpu.sem_alloc : memref<!tpu.dma_semaphore, #tpu.memory_space<semaphore_mem>>
        %dma_start3A = arith.constant 0 : i32
        %dma_start3A_22 = tpu.memref_slice %arg5[%add3A_13, %dma_start3A] : memref<8192x2048xf32, #tpu.memory_space<hbm>> -> memref<16x2048xf32, #tpu.memory_space<hbm>>
        %dma_start3A_23 = arith.constant 0 : i32
        %dma_start3A_24 = tpu.memref_slice %arg5[%add3A_13, %dma_start3A_23] : memref<8192x2048xf32, #tpu.memory_space<hbm>> -> memref<16x2048xf32, #tpu.memory_space<hbm>>
        tpu.enqueue_dma source(%arg8 : memref<16x2048xf32, #tpu.memory_space<vmem>>) target(%dma_start3A_24 : memref<16x2048xf32, #tpu.memory_space<hbm>>) target_semaphore(%run_scoped3A : memref<!tpu.dma_semaphore, #tpu.memory_space<semaphore_mem>>)
        %dma_wait3A = arith.constant 0 : i32
        %dma_wait3A_25 = tpu.memref_slice %arg5[%add3A_13, %dma_wait3A] : memref<8192x2048xf32, #tpu.memory_space<hbm>> -> memref<16x2048xf32, #tpu.memory_space<hbm>>
        %dma_wait3A_26 = arith.constant 0 : i32
        %dma_wait3A_27 = tpu.memref_slice %arg5[%add3A_13, %dma_wait3A_26] : memref<8192x2048xf32, #tpu.memory_space<hbm>> -> memref<16x2048xf32, #tpu.memory_space<hbm>>
        tpu.wait_dma2 semaphore(%run_scoped3A : memref<!tpu.dma_semaphore, #tpu.memory_space<semaphore_mem>>) src(%arg8 : memref<16x2048xf32, #tpu.memory_space<vmem>>) dst(%dma_wait3A_27 : memref<16x2048xf32, #tpu.memory_space<hbm>>)
        tpu.yield
      }) : () -> ()
      %scan3A_21 = arith.constant 0 : i32
      scf.yield %scan3A_21 : i32
    }
    %scan3A_8 = arith.constant 16 : i32
    return
  }
}

</mosaic_0001>

<sc_bundles>
// kernel: _sc_call.3.cloned.1.call-start
scs
__scs_entry_jumppad:
0x0: {  	(pc) =	sbr.rel $0x88, $3  }
0x1: {  	(tag) =	ssettag $0x0;
	lr =	simm.s32 $0x1  }
0x2: {  	[smem:$0x3F9E] =	sst lr;
	_ =	strace $0xD0000000  }
0x3: {  	_ = 	snop  }
0x4: {  	_ = 	snop  }
0x5: {  	_ = 	snop  }
0x6: {  	_ = 	snop  }
0x7: {  	_ = 	snop  }
__scs_overlays_trampoline_lowered:
0x8: {  	[smem:$0x3FAD] =	sst s0  }
0x9: {  	[smem:$0x3FAE] =	sst s1  }
0xa: {  	[smem:$0x3FAF] =	sst s2  }
0xb: {  	[smem:$0x3FB0] =	sst s3  }
0xc: {  	[smem:$0x3FB1] =	sst s4  }
0xd: {  	[smem:$0x3FB2] =	sst s5  }
0xe: {  	[smem:$0x3FB3] =	sst s6  }
0xf: {  	[smem:$0x3FB4] =	sst s7  }
0x10: {  	[smem:$0x3FB5] =	sst s8  }
0x11: {  	[smem:$0x3FB6] =	sst s9;
	s0 =	simm.s32 @!p0 $0x0  }
0x12: {  	s1 =	sld [smem:$0x3F9C];
	s0 =	simm.s32 @p0 $0x1  }
0x13: {  	[smem:$0x3FB7] =	sst s0;
	s0 =	simm.s32 @!p1 $0x0  }
0x14: {  	s2 =	sld [smem:$0x3F9B];
	s0 =	simm.s32 @p1 $0x1  }
0x15: {  	[smem:$0x3FB8] =	sst s0;
	s0 =	simm.s32 @!p2 $0x0  }
0x16: {  	s3 =	sld [smem:$0x3FDB];
	s0 =	simm.s32 @p2 $0x1  }
0x17: {  	s4 =	simm.s32 $0x1BF5;
	[smem:$0x3FBA] =	sst s0  }
0x18: {  	s0 =	sld [smem:$0x3F9D];
	_ =	swait.ge [sflag:s4], $0x0  }
0x19: {  	s7 =	sld [smem:$0x3F9E]  }
0x1a: {  	s8 =	sadd.s32 $0xFFFFE003, lr  }
0x1b: {  	s9 =	sadd.s32 $0xFFFFFEF7, lr;
	s5 =	simm.s32 $0xFFFFFFFF;
	p2 =	slt.u32 s8, $0xFFFFF086  }
0x1c: {  	p1 =	slt.u32 s9, $0xF7A;
	s5 =	simm.s32 @!p2 $0x0  }
0x1d: {  	s5 =	simm.s32 @p1 $0x1;
	p0 =	seq.s32 s7, s2  }
0x1e: {  	s7 =	smul.u32 @!p0 $0xF7A, s2;
	p2 =	seq.s32 @!p0 s5, $0x0  }
0x1f: {  	s9 =	smul.u32 $0xF7A, s1;
	s8 =	simm.s32 @!p0 $0x1BF5;
	p2 =	por !p2, p0  }
0x20: {  	[sflag:s8] =	ssyncset.s32 @!p0 $0xFFFFF086;
	s6 =	sadd.s32 @!p0 s3, s7;
	s7 =	simm.s32 @!p0 $0x108  }
0x21: {  	s3 =	sadd.s32 s3, s9;
	s6 =	sadd.s32 @!p0 $0x88, s6;
	s7 =	simm.s32 @p2 $0x1082  }
0x22: {  	[simem:s7], [sflag:s8] =	dma.local @!p0 [hbm:s6], $0xF7A  }
0x23: {  	s9 =	sor.u32 $0xD0000000, s2;
	s6 =	simm.s32 $0x108;
	_ =	swait.ge @!p0 [sflag:s8], $0x0  }
0x24: {  	s3 =	sadd.s32 $0x88, s3;
	s6 =	simm.s32 @!p1 $0x1082;
	[sflag:s4] =	ssyncset.s32 $0xFFFFF086  }
0x25: {  	[simem:s6], [sflag:s4] =	dma.local [hbm:s3], $0xF7A  }
0x26: {  	[smem:$0x3F9E] =	sst s1;
	(tag) =	ssettag s2;
	_ =	strace s9  }
0x27: {  	s1 =	sld [smem:$0x3FAE]  }
0x28: {  	s2 =	sld [smem:$0x3FAF]  }
0x29: {  	s4 =	sld [smem:$0x3FB1]  }
0x2a: {  	p0 =	seq.s32 s5, $0x0;
	s5 =	sld [smem:$0x3FB2]  }
0x2b: {  	s6 =	sld [smem:$0x3FB3]  }
0x2c: {  	s7 =	sld [smem:$0x3FB4]  }
0x2d: {  	s3 =	simm.s32 $0x108;
	s8 =	sld [smem:$0x3FB5]  }
0x2e: {  	s3 =	simm.s32 @!p0 $0x1082;
	s9 =	sld [smem:$0x3FB6]  }
0x2f: {  	lr =	sadd.s32 s0, s3;
	s0 =	sld [smem:$0x3FAD]  }
0x30: {  	s3 =	sld [smem:$0x3FB0]  }
0x31: {  	[smem:$0x3FB9] =	sst s10  }
0x32: {  	s10 =	sld [smem:$0x3FB7];
	_ =	sdelay $0x3  }
0x33: {  	p0 =	seq.s32 s10, $0x1;
	s10 =	sld [smem:$0x3FB9];
	_ =	sdelay $0x3  }
0x34: {  	[smem:$0x3FB9] =	sst s10  }
0x35: {  	s10 =	sld [smem:$0x3FB8];
	_ =	sdelay $0x3  }
0x36: {  	p1 =	seq.s32 s10, $0x1;
	s10 =	sld [smem:$0x3FB9];
	_ =	sdelay $0x3  }
0x37: {  	[smem:$0x3FB9] =	sst s10  }
0x38: {  	s10 =	sld [smem:$0x3FBA]  }
0x39: {  	_ = 	snop;
	(pc) =	sbr.ind lr, $3  }
0x3a: {  	_ = 	snop  }
0x3b: {  	_ = 	snop  }
0x3c: {  	p2 =	seq.s32 s10, $0x1;
	s10 =	sld [smem:$0x3FB9]  }
0x3d: {  	_ =	shalt  }
0x3e: {  	_ =	shalt  }
0x3f: {  	_ =	shalt  }
0x40: {  	_ =	shalt  }
0x41: {  	_ =	shalt  }
0x42: {  	_ =	shalt  }
0x43: {  	_ =	shalt  }
0x44: {  	_ =	shalt  }
0x45: {  	_ =	shalt  }
0x46: {  	_ =	shalt  }
0x47: {  	_ =	shalt  }
0x48: {  	_ =	shalt  }
0x49: {  	_ =	shalt  }
0x4a: {  	_ =	shalt  }
0x4b: {  	_ =	shalt  }
0x4c: {  	_ =	shalt  }
0x4d: {  	_ =	shalt  }
0x4e: {  	_ =	shalt  }
0x4f: {  	_ =	shalt  }
0x50: {  	_ =	shalt  }
0x51: {  	_ =	shalt  }
0x52: {  	_ =	shalt  }
0x53: {  	_ =	shalt  }
0x54: {  	_ =	shalt  }
0x55: {  	_ =	shalt  }
0x56: {  	_ =	shalt  }
0x57: {  	_ =	shalt  }
0x58: {  	_ =	shalt  }
0x59: {  	_ =	shalt  }
0x5a: {  	_ =	shalt  }
0x5b: {  	_ =	shalt  }
0x5c: {  	_ =	shalt  }
0x5d: {  	_ =	shalt  }
0x5e: {  	_ =	shalt  }
0x5f: {  	_ =	shalt  }
0x60: {  	_ =	shalt  }
0x61: {  	_ =	shalt  }
0x62: {  	_ =	shalt  }
0x63: {  	_ =	shalt  }
0x64: {  	_ =	shalt  }
0x65: {  	_ =	shalt  }
0x66: {  	_ =	shalt  }
0x67: {  	_ =	shalt  }
0x68: {  	_ =	shalt  }
0x69: {  	_ =	shalt  }
0x6a: {  	_ =	shalt  }
0x6b: {  	_ =	shalt  }
0x6c: {  	_ =	shalt  }
0x6d: {  	_ =	shalt  }
0x6e: {  	_ =	shalt  }
0x6f: {  	_ =	shalt  }
0x70: {  	_ =	shalt  }
0x71: {  	_ =	shalt  }
0x72: {  	_ =	shalt  }
0x73: {  	_ =	shalt  }
0x74: {  	_ =	shalt  }
0x75: {  	_ =	shalt  }
0x76: {  	_ =	shalt  }
0x77: {  	_ =	shalt  }
0x78: {  	_ =	shalt  }
0x79: {  	_ =	shalt  }
0x7a: {  	_ =	shalt  }
0x7b: {  	_ =	shalt  }
0x7c: {  	_ =	shalt  }
0x7d: {  	_ =	shalt  }
0x7e: {  	_ =	shalt  }
0x7f: {  	_ =	shalt  }
0x80: {  	_ =	shalt  }
0x81: {  	_ =	shalt  }
0x82: {  	_ =	shalt  }
0x83: {  	_ =	shalt  }
0x84: {  	_ =	shalt  }
0x85: {  	_ =	shalt  }
0x86: {  	_ =	shalt  }
0x87: {  	_ =	shalt  }
.Lfunc_end0:
.L_simem_size_0:
called_computation_lowered:
.L_overlay_start_0:
0x88: {  	s2 =	sld [smem:$0x3FD9]  }
0x89: {  	s3 =	sld [smem:$0x3FFE];
	_ =	sdelay $0x1  }
0x8a: {  	s1 =	srdreg.scid  }
0x8b: {  	s0 =	sand.u32 $0x1, s1  }
0x8c: {  	s17 =	sshll.u32 s0, $0xA;
	s2 =	sadd.s32 s3, s2  }
0x8d: {  	s2 =	sadd.s32 s2, s17  }
0x8e: {  	[smem:$0x3FC5] =	sst s2  }
0x8f: {  	_ = 	snop  }
0x90: {  	s2 =	sld [smem:$0x3FC9]  }
0x91: {  	s18 =	sld [smem:$0x3FC7]  }
0x92: {  	s4 =	sld [smem:$0x3FD0];
	(tm) =	ssettm $0x1  }
0x93: {  	s5 =	sld [smem:$0x3FFB];
	_ =	sdelay $0x3  }
0x94: {  	_ =	strace s5  }
0x95: {  	s5 =	sld [smem:$0x3FFC];
	_ =	sdelay $0x3  }
0x96: {  	_ =	strace s5  }
0x97: {  	s5 =	sld [smem:$0x3FFD];
	_ =	sdelay $0x3  }
0x98: {  	_ =	strace s5  }
0x99: {  	_ =	strace $0x8FFFFFFF  }
0x9a: {  	s19 =	sld [smem:$0x3FDB];
	_ =	sdelay $0x1  }
0x9b: {  	s6 =	simm.s32 $_scs_section_size  }
0x9c: {  	s7 =	simm.s32 $_size__tile_overlayer_lowered;
	s8 =	simm.s32 $_tile_overlayer_lowered  }
0x9d: {  	s22 =	simm.s32 $0x1BFF;
	s21 =	sshll.u32 s8, $0x1;
	s5 =	sadd.s32 s6, s19  }
0x9e: {  	s9 =	simm.s32 $0x0;
	s20 =	sshll.u32 s7, $0x1;
	s7 =	sadd.s32 s21, s5  }
0x9f: {  	[timem:s9], [sflag:s22] =	dma.local [hbm:s7], s20  }
0xa0: {  	_ =	swait.ge [sflag:s22], s20  }
0xa1: {  	s6 =	ssub.s32 $0x0, s20;
	[sflag:s22] =	ssyncset.done $0x0  }
0xa2: {  	[sflag:s22] =	ssyncadd.s32 s6;
	_ =	sdelay $0x1  }
0xa3: {  	s23 =	simm.s32 $0x1B8B  }
0xa4: {  	_ =	swait.ge [sflag:s23], $0x1  }
0xa5: {  	[sflag:s23] =	ssyncset.done $0x0  }
0xa6: {  	s25 =	simm.s32 $0x1B8E;
	s24 =	sld [smem:$0x3FFE];
	[sflag:s23] =	ssyncadd.s32 $0xFFFFFFFF  }
0xa7: {  	s26 =	simm.s32 $execute0_lowered;
	[smem:$0x3FD2] =	sst s25  }
0xa8: {  	s7 =	sshll.u32 s26, $0x1;
	_ =	strace $0x80000046;
	[dreg:$0x1] =	wrdreg $0xFFFFFFFF  }
0xa9: {  	s28 =	simm.s32 $_size_execute0_lowered;
	s5 =	sadd.s32 s5, s7;
	[dreg:$0x0] =	wrdreg $0x0  }
0xaa: {  	s7 =	sshll.u32 s28, $0x1;
	[dreg:$0x2] =	wrdreg s5  }
0xab: {  	[dreg:$0x3] =	wrdreg s7  }
0xac: {  	[dreg:$0x4] =	wrdreg $0xC0  }
0xad: {  	_ =	task [dreg:s9], $0x5FFFF  }
0xae: {  	[dreg:$0x1] =	wrdreg $0xFFFFFFFF  }
0xaf: {  	[dreg:$0x0] =	wrdreg $0x60  }
0xb0: {  	[dreg:$0x2] =	wrdreg s2  }
0xb1: {  	[dreg:$0x3] =	wrdreg s24  }
0xb2: {  	[dreg:$0x4] =	wrdreg s18  }
0xb3: {  	[dreg:$0x5] =	wrdreg s4  }
0xb4: {  	[dreg:$0x6] =	wrdreg $0x9  }
0xb5: {  	_ =	task.clear_ibuf [dreg:s9], $0x7FFFF;
	_ =	strace $0x90000046  }
0xb6: {  	s29 =	simm.s32 $0x9;
	_ =	strace $0x80000048  }
0xb7: {  	_ =	swait.ge [sflag:s29], $0x1  }
0xb8: {  	[sflag:s29] =	ssyncadd.s32 $0xFFFFFFFF  }
0xb9: {  	_ =	strace $0x90000048  }
0xba: {  	_ =	sfence  }
0xbb: {  	s30 =	sld [smem:$0x0];
	_ =	sdelay $0x2  }
0xbc: {  	s31 =	sshll.u32 s1, $0xD;
	s1 =	sshrl.u32 s1, $0x2  }
0xbd: {  	s3 =	sand.u32 $0x4000, s31;
	s1 =	sadd.s32 s1, s30  }
0xbe: {  	s0 =	sor.u32 s3, s0;
	s1 =	sshll.u32 s1, $0x11  }
0xbf: {  	s0 =	sor.u32 s1, s0  }
0xc0: {  	s0 =	sadd.s32 $0x8F2B, s0  }
0xc1: {  	[sflag:s0] =	ssyncadd.remote.s32 $0x1  }
0xc2: {  	_ =	sfence.sel $0xFFFF  }
0xc3: {  	[dreg:$0x0] =	wrdreg $0xFFFFFFFF;
	(pc) =	sbr.abs _section_cstart, $3  }
0xc4: {  	[dreg:$0x1] =	wrdreg $0xFFFFFFFF  }
0xc5: {  	_ =	task.clear_ibuf [dreg:s9], $0x2FFFF;
	_ =	strace $0x9FFFFFFF  }
0xc6: {  	(tm) =	ssettm $0x7FFFFFFF  }
0xc7: {  	_ =	shalt  }
tec
execute0_lowered:
.L_overlay_start_1:
0x0: {  	(tag) =	ssettag $0x1  }
0x1: {  	s0 =	rddreg [dreg:$0x0]  }
0x2: {  	s7 =	rddreg [dreg:$0x1]  }
0x3: {  	s3 =	rddreg [dreg:$0x2]  }
0x4: {  	s1 =	srdreg.scid;
	s4 =	rddreg [dreg:$0x3]  }
0x5: {  	s2 =	stileid.u32;
	s5 =	simm.s32 $0x0;
	s11 =	simm.s32 $0x14000  }
0x6: {  	s12 =	simm.s32 $0x0;
	s16 =	simm.s32 $0x0;
	s8 =	sand.u32 $0x1, s1  }
0x7: {  	s1 =	rddreg [dreg:$0x4];
	s6 =	sshll.u32 s2, $0x9;
	s9 =	sshll.u32 s8, $0x8  }
0x8: {  	[smem:$0x7FF] =	sst s5;
	s8 =	ssub.s32 $0x2, s8;
	s6 =	sor.u32 s9, s6  }
0x9: {  	_ =	strace $0x80000047;
	s10 =	sshrl.u32 s8, $0x1;
	s9 =	sshll.u32 s6, $0x4  }
0xa: {  	s8 =	ssub.s32 s8, s10;
	s10 =	simm.s32 $0xC000;
	s7 =	sadd.s32 s9, s7  }
0xb: {  	s8 =	smax.u32 s8, $0x1;
	s9 =	simm.s32 $0x1;
	s7 =	sadd.s32 $0x400, s7  }
.LBB2_1:
0xc: {  	[tilespmem:s5], [sflag:$0x1] =	stream.linear.gather [hbm4b:s3+s5], $0xC000, $0x38;
	[tilespmem:$0x1C000] =	vst v63  }
0xd: {  	_ =	swait.ge [sflag:s9], $0xC000  }
0xe: {  	[sflag:s9] =	ssyncset.done $0x0  }
0xf: {  	[sflag:s9] =	ssyncadd.s32 $0xFFFF4000  }
0x10: {  	[tilespmem:s10], [sflag:$0x1] =	stream.linear.gather [hbm4b:s7+s5], $0x8000, $0x38;
	[tilespmem:$0x1C000] =	vst v63  }
0x11: {  	_ =	swait.ge [sflag:s9], $0x8000  }
0x12: {  	[sflag:s9] =	ssyncset.done $0x0  }
0x13: {  	s13 =	simm.s32 $0x0;
	[sflag:s9] =	ssyncadd.s32 $0xFFFF8000  }
.LBB2_2:
0x14: {  	s14 =	sshll.u32 s13, $0x4  }
0x15: {  	s15 =	sor.u32 s6, s14  }
0x16: {  	s15 =	sshll.u32 s15, $0x8  }
0x17: {  	s17 =	sadd.s32 s0, s15  }
0x18: {  	[tilespmem:s11], [sflag:$0x1] =	stream.linear.gather [hbm4b:s17+s16], $0x8000, $0x38;
	[tilespmem:$0x1C000] =	vst v63  }
0x19: {  	_ =	swait.ge [sflag:s9], $0x8000  }
0x1a: {  	[sflag:s9] =	ssyncset.done $0x0  }
0x1b: {  	s17 =	simm.s32 $0x0;
	[sflag:s9] =	ssyncadd.s32 $0xFFFF8000  }
.LBB2_3:
0x1c: {  	s18 =	sadd.s32 s14, s17  }
0x1d: {  	s18 =	sshll.u32 s18, $0x7  }
0x1e: {  	s18 =	sand.u32 $0x3FFFFF80, s18  }
0x1f: {  	v0 =	vld [tilespmem:s18+$0xC000];
	_ =	sdelay $0x4  }
0x20: {  	vm0 =	vne.s32 v0, $0x0  }
0x21: {  	v0 =	vmpcnt.ones.xlane vm0;
	_ =	sdelay $0x1  }
0x22: {  	(v2sf) =	vpush v0, $0x0;
	_ =	sdelay $0xd  }
0x23: {  	s19 =	sshll.u32 s17, $0xB  }
0x24: {  	s20 =	sshll.u32 s17, $0x7;
	s29 =	sand.u32 $0x3C00, s16;
	s28 =	spop (v2sf)  }
0x25: {  	s19 =	sand.u32 $0x4000, s19;
	s20 =	sand.u32 $0x380, s20;
	s18 =	ssub.s32 $0x10, s28  }
0x26: {  	s19 =	sor.u32 s20, s19;
	s21 =	sshll.u32 s18, $0xB;
	s18 =	sshll.u32 s18, $0x7  }
0x27: {  	s19 =	sadd.s32 $0x14000, s19;
	s21 =	sand.u32 $0xFFFFC000, s21;
	s18 =	sand.u32 $0x380, s18  }
0x28: {  	s30 =	sand.u32 $0x70, s16;
	s20 =	sadd.s32 s29, s19;
	s18 =	sor.u32 s18, s21  }
0x29: {  	s20 =	sadd.s32 s30, s20;
	s22 =	sadd.s32 s29, s18  }
0x2a: {  	v1 =	vld [tilespmem:s20+$0x0];
	s22 =	sadd.s32 s30, s22  }
0x2b: {  	v0 =	vld [tilespmem:s22+$0x0];
	_ =	sdelay $0x3  }
0x2c: {  	s21 =	simm.s32 $0x80  }
0x2d: {  	s31 =	simm.s32 $0x10;
	s24 =	sand.u32 $0x3C00, s21;
	v0 =	vadd.f32 v0, v1  }
0x2e: {  	s23 =	sand.u32 $0x70, s31;
	s25 =	sadd.s32 s24, s18;
	s22 =	simm.s32 $0x20  }
.LBB2_4:
0x2f: {  	p0 =	sne.s32 s22, $0x7F0;
	s24 =	sadd.s32 s24, s19;
	s25 =	sadd.s32 s23, s25;
	[tilespmem:s20+$0x0] =	vst v0  }
0x30: {  	s20 =	sadd.s32 s23, s24;
	v0 =	vld [tilespmem:s25+$0x0]  }
0x31: {  	v1 =	vld [tilespmem:s20+$0x0];
	_ =	sdelay $0x1  }
.Ltmp0:
0x32: {  	(pc) =	sbr.rel @p0 .LBB2_4-.Ltmp0, $4  }
0x33: {  	_ = 	snop  }
0x34: {  	s21 =	sadd.s32 $0x80, s21  }
0x35: {  	s24 =	sand.u32 $0x3C00, s21;
	v0 =	vadd.f32 v0, v1  }
0x36: {  	s23 =	sand.u32 $0x70, s22;
	s22 =	sadd.s32 $0x10, s22;
	s25 =	sadd.s32 s24, s18  }
0x37: {  	s18 =	sadd.s32 s24, s19;
	s31 =	sadd.s32 s23, s25;
	[tilespmem:s20+$0x0] =	vst v0  }
0x38: {  	s18 =	sadd.s32 s23, s18;
	v0 =	vld [tilespmem:s31+$0x0]  }
0x39: {  	v1 =	vld [tilespmem:s18+$0x0]  }
0x3a: {  	s17 =	sadd.s32 $0x1, s17  }
0x3b: {  	p0 =	sne.s32 s17, $0x10  }
.Ltmp1:
0x3c: {  	_ = 	snop;
	(pc) =	sbr.rel @p0 .LBB2_3-.Ltmp1, $3  }
0x3d: {  	_ = 	snop  }
0x3e: {  	v0 =	vadd.f32 v0, v1;
	_ =	sdelay $0x1  }
0x3f: {  	[tilespmem:s18+$0x0] =	vst v0  }
0x40: {  	s13 =	sadd.s32 $0x1, s13  }
0x41: {  	p0 =	sne.s32 s13, $0x10  }
.Ltmp2:
0x42: {  	s14 =	sadd.s32 s4, s15;
	(pc) =	sbr.rel @p0 .LBB2_2-.Ltmp2, $4  }
0x43: {  	[hbm4b:s14+s5] =	stream.linear.scatter [tilespmem:s11], [sflag:$0x1], $0x8000, $0x38;
	[tilespmem:$0x1C000] =	vst v63  }
0x44: {  	_ =	swait.ge [sflag:s9], $0x8000  }
0x45: {  	[sflag:s9] =	ssyncset.done $0x0  }
0x46: {  	[sflag:s9] =	ssyncadd.s32 $0xFFFF8000  }
0x47: {  	s12 =	sadd.s32 $0x1, s12  }
0x48: {  	p0 =	sne.s32 s12, s8  }
.Ltmp3:
0x49: {  	_ = 	snop;
	(pc) =	sbr.rel @p0 .LBB2_1-.Ltmp3, $1  }
0x4a: {  	_ =	sdelay $0x3  }
0x4b: {  	_ =	sfence.sel $0x180000  }
0x4c: {  	[bflag:$0x0] =	sbarrier.arrive $0xFFFF  }
0x4d: {  	p0 =	sne.s32 s2, $0x0;
	_ =	strace $0x90000047  }
0x4e: {  	s0 =	sadd.s32 @!p0 $0x100000, s1;
	[bflag:$0x2] =	sbarrier.arrive $0xFFFF  }
0x4f: {  	[sflag:s0] =	ssyncadd.tile.s32 @!p0 $0x1;
	_ =	shalt  }
.Lfunc_end2:
_tile_overlayer_lowered:
.L_overlay_start_2:
0x50: {  	(tag) =	ssettag $0x2  }
0x51: {  	s0 =	rddreg [dreg:$0x0];
	s2 =	stileid.u32  }
0x52: {  	s1 =	rddreg [dreg:$0x1];
	p0 =	sne.s32 s2, $0x0  }
0x53: {  	s3 =	rddreg [dreg:$0x2];
	[bflag:$0x3] =	sbarrier.arrive $0xFFFF;
	s2 =	simm.s32 @!p0 $0x1C01  }
0x54: {  	[timem:s3], [sflag:s2] =	dma.local @!p0 [hbm:s0], s1  }
0x55: {  	s0 =	simm.s32 @!p0 $0x1  }
0x56: {  	_ =	swait.ge @!p0 [sflag:s0], s1  }
0x57: {  	s1 =	ssub.s32 @!p0 $0x0, s1;
	[sflag:s0] =	ssyncset.done @!p0 $0x0  }
0x58: {  	[sflag:s0] =	ssyncadd.s32 @!p0 s1  }
0x59: {  	[bflag:$0x3] =	sbarrier.arrive $0xFFFF  }
0x5a: {  	_ =	shalt  }

</sc_bundles>
